<compile_context>
chip_gen: v7x
topology: tpu7x:2x2x1
jax: 0.10.2.dev20260603
libtpu: 0.0.44.dev20260713+nightly
codegen_flags: <defaults>
</compile_context>

<pallas_src>
import jax
import jax.numpy as jnp
from jax.experimental import pallas as pl

_GAMMA = 1.5


def _qfocal_body(pred_ref, label_ref, score_ref, out_ref):
    x = pred_ref[...]
    sc = score_ref[...]
    lab = label_ref[...]

    e = jnp.exp(-jnp.abs(x))
    recip = 1.0 / (1.0 + e)
    sig = jnp.where(x >= 0.0, recip, e * recip)
    bce0 = jnp.maximum(x, 0.0) + jnp.log1p(e)
    neg = bce0 * sig * jnp.sqrt(sig)

    s = jnp.max(sc, axis=1, keepdims=True)
    d = jnp.abs(s - sig)
    pos = (bce0 - x * s) * d * jnp.sqrt(d)

    cid = jax.lax.broadcasted_iota(jnp.int32, x.shape, 1)
    m = cid == lab
    out_ref[...] = jnp.where(m, pos, neg)


def kernel(pred, label, score):
    B, N, C = pred.shape
    M = B * N
    bn = 1024
    p2 = pred.reshape(M, C)
    s2 = score.reshape(M, C)
    l2 = label.reshape(M, 1)
    out = pl.pallas_call(
        _qfocal_body,
        grid=(M // bn,),
        in_specs=[
            pl.BlockSpec((bn, C), lambda i: (i, 0)),
            pl.BlockSpec((bn, 1), lambda i: (i, 0)),
            pl.BlockSpec((bn, C), lambda i: (i, 0)),
        ],
        out_specs=pl.BlockSpec((bn, C), lambda i: (i, 0)),
        out_shape=jax.ShapeDtypeStruct((M, C), jnp.float32),
    )(p2, l2, s2)
    return out.reshape(B, N, C)

# --- scband reference (transcript-rebuilt; emitter-appended) ---
"""Pipeline reference for scband-qfocal-loss-38474317037854 (READ-ONLY COPY).

The authoritative reference and input builder live on the scoring server;
editing this copy changes nothing except your own understanding.
"""

import jax, jax.numpy as jnp
import numpy as np

GAMMA = 1.5


def _bce_with_logits(x, t):
    # numerically stable elementwise binary_cross_entropy_with_logits (reduction='none')
    return jnp.maximum(x, 0.0) - x * t + jnp.log1p(jnp.exp(-jnp.abs(x)))


def setup_inputs(seed: int = 0) -> dict:
    key = jax.random.key(seed)
    k1, k2, k3 = jax.random.split(key, 3)
    B, N, C = 16, 8192, 80
    pred = jax.random.normal(k1, (B, N, C), dtype=jnp.float32)
    # labels in [0, C]; value C (=80) is the background class (excluded from positives)
    label = jax.random.randint(k2, (B, N), 0, C + 1, dtype=jnp.int32)
    score = jax.random.uniform(k3, (B, N, C), dtype=jnp.float32)
    return {"pred": pred, "label": label, "score": score}


def reference(pred, label, score):
    gamma = GAMMA
    # score, _ = torch.max(score, dim=-1)
    s = jnp.max(score, axis=-1)  # [B, N]
    pred_prob = jax.nn.sigmoid(pred)
    # negative (background) branch for every element
    zerolabel = jnp.zeros_like(pred)
    loss = _bce_with_logits(pred, zerolabel) * jnp.power(pred_prob, gamma)  # [B, N, C]
    bg_class_ind = pred.shape[-1]
    # positive positions: 0 <= label < C
    pos_mask = (label >= 0) & (label < bg_class_ind)  # [B, N]
    pl = jnp.clip(label, 0, bg_class_ind - 1)  # safe gather index
    pred_pl = jnp.take_along_axis(pred, pl[..., None], axis=-1)[..., 0]  # [B, N]
    prob_pl = jax.nn.sigmoid(pred_pl)
    scale_factor = jnp.abs(s - prob_pl) ** gamma  # [B, N]
    pos_loss = _bce_with_logits(pred_pl, s) * scale_factor  # [B, N]
    # scatter-overwrite loss[b][pos, pos_label] = pos_loss at positive (anchor, label) pairs
    onehot = jax.nn.one_hot(pl, bg_class_ind, dtype=jnp.bool_)  # [B, N, C]
    upd = pos_mask[..., None] & onehot
    loss = jnp.where(upd, pos_loss[..., None], loss)
    return loss

if __name__ == "__main__":
    import jax
    _d = setup_inputs()
    print(jax.jit(kernel)(*tuple(_d.values())))

</pallas_src>

<mosaic_0001>
module attributes {stable_mosaic.version = 14 : i64} {
  func.func @_qfocal_body(%arg0: i32, %arg1: memref<1024x80xf32, #tpu.memory_space<vmem>>, %arg2: memref<1024x1xi32, #tpu.memory_space<vmem>>, %arg3: memref<1024x80xf32, #tpu.memory_space<vmem>>, %arg4: memref<1024x80xf32, #tpu.memory_space<vmem>>) attributes {dimension_semantics = [#tpu.dimension_semantics<arbitrary>], iteration_bounds = array<i64: 128>, scalar_prefetch = 0 : i64, scratch_operands = 0 : i64, tpu.core_type = #tpu.core_type<tc>, window_params = [{transform_indices = @transform_0, window_bounds = array<i64: 1024, 80>}, {transform_indices = @transform_1, window_bounds = array<i64: 1024, 1>}, {transform_indices = @transform_2, window_bounds = array<i64: 1024, 80>}, {transform_indices = @transform_3, window_bounds = array<i64: 1024, 80>}]} {
    %get3A = arith.constant 0 : index
    %get3A_0 = arith.constant 0 : index
    %get3A_1 = vector.load %arg1[%get3A, %get3A_0] : memref<1024x80xf32, #tpu.memory_space<vmem>>, vector<1024x80xf32>
    %get3A_2 = arith.constant 0 : index
    %get3A_3 = arith.constant 0 : index
    %get3A_4 = vector.load %arg3[%get3A_2, %get3A_3] : memref<1024x80xf32, #tpu.memory_space<vmem>>, vector<1024x80xf32>
    %get3A_5 = arith.constant 0 : index
    %get3A_6 = arith.constant 0 : index
    %get3A_7 = vector.load %arg2[%get3A_5, %get3A_6] : memref<1024x1xi32, #tpu.memory_space<vmem>>, vector<1024x1xi32>
    %abs3A = math.absf %get3A_1 : vector<1024x80xf32>
    %neg3A = arith.constant 0.000000e+00 : f32
    %neg3A_8 = vector.broadcast %neg3A : f32 to vector<1024x80xf32>
    %neg3A_9 = arith.subf %neg3A_8, %abs3A : vector<1024x80xf32>
    %exp3A = math.exp %neg3A_9 : vector<1024x80xf32>
    %add3A = arith.constant 1.000000e+00 : f32
    %add3A_10 = vector.broadcast %add3A : f32 to vector<1024x80xf32>
    %add3A_11 = arith.addf %add3A_10, %exp3A : vector<1024x80xf32>
    %div3A = arith.constant 1.000000e+00 : f32
    %div3A_12 = vector.broadcast %div3A : f32 to vector<1024x80xf32>
    %div3A_13 = arith.divf %div3A_12, %add3A_11 : vector<1024x80xf32>
    %ge3A = arith.constant 0.000000e+00 : f32
    %ge3A_14 = vector.broadcast %ge3A : f32 to vector<1024x80xf32>
    %ge3A_15 = arith.cmpf oge, %get3A_1, %ge3A_14 : vector<1024x80xf32>
    %mul3A = arith.mulf %exp3A, %div3A_13 : vector<1024x80xf32>
    %select_n3A = arith.select %ge3A_15, %div3A_13, %mul3A : vector<1024x80xi1>, vector<1024x80xf32>
    %max3A = arith.constant 0.000000e+00 : f32
    %max3A_16 = vector.broadcast %max3A : f32 to vector<1024x80xf32>
    %max3A_17 = arith.maximumf %get3A_1, %max3A_16 : vector<1024x80xf32>
    %log1p3A = math.log1p %exp3A : vector<1024x80xf32>
    %add3A_18 = arith.addf %max3A_17, %log1p3A : vector<1024x80xf32>
    %mul3A_19 = arith.mulf %add3A_18, %select_n3A : vector<1024x80xf32>
    %sqrt3A = math.sqrt %select_n3A : vector<1024x80xf32>
    %mul3A_20 = arith.mulf %mul3A_19, %sqrt3A : vector<1024x80xf32>
    %reduce_max3A = arith.constant dense<0xFF800000> : vector<1024xf32>
    %reduce_max3A_21 = vector.multi_reduction <maximumf>, %get3A_4, %reduce_max3A [1] : vector<1024x80xf32> to vector<1024xf32>
    %broadcast_in_dim3A = vector.shape_cast %reduce_max3A_21 : vector<1024xf32> to vector<1024x1xf32>
    %sub3A = vector.broadcast %broadcast_in_dim3A : vector<1024x1xf32> to vector<1024x80xf32>
    %sub3A_22 = arith.subf %sub3A, %select_n3A : vector<1024x80xf32>
    %abs3A_23 = math.absf %sub3A_22 : vector<1024x80xf32>
    %mul3A_24 = vector.broadcast %broadcast_in_dim3A : vector<1024x1xf32> to vector<1024x80xf32>
    %mul3A_25 = arith.mulf %get3A_1, %mul3A_24 : vector<1024x80xf32>
    %sub3A_26 = arith.subf %add3A_18, %mul3A_25 : vector<1024x80xf32>
    %mul3A_27 = arith.mulf %sub3A_26, %abs3A_23 : vector<1024x80xf32>
    %sqrt3A_28 = math.sqrt %abs3A_23 : vector<1024x80xf32>
    %mul3A_29 = arith.mulf %mul3A_27, %sqrt3A_28 : vector<1024x80xf32>
    %iota3A = tpu.iota {dimensions = array<i32: 1>} : vector<1024x80xi32>
    %eq3A = vector.broadcast %get3A_7 : vector<1024x1xi32> to vector<1024x80xi32>
    %eq3A_30 = arith.cmpi eq, %iota3A, %eq3A : vector<1024x80xi32>
    %select_n3A_31 = arith.select %eq3A_30, %mul3A_29, %mul3A_20 : vector<1024x80xi1>, vector<1024x80xf32>
    %swap3A = arith.constant 0 : index
    %swap3A_32 = arith.constant 0 : index
    %swap3A_33 = vector.load %arg4[%swap3A, %swap3A_32] : memref<1024x80xf32, #tpu.memory_space<vmem>>, vector<1024x80xf32>
    tpu.vector_store %arg4[%swap3A, %swap3A_32], %select_n3A_31 {strides = array<i32>} : memref<1024x80xf32, #tpu.memory_space<vmem>>, vector<1024x80xf32>,
    return
  }
  func.func @transform_0(%arg0: i32) -> (i32, i32) {
    %c0_i32 = arith.constant 0 : i32
    %c0_i32_0 = arith.constant 0 : i32
    return %arg0, %c0_i32 : i32, i32
  }
  func.func @transform_1(%arg0: i32) -> (i32, i32) {
    %c0_i32 = arith.constant 0 : i32
    %c0_i32_0 = arith.constant 0 : i32
    return %arg0, %c0_i32 : i32, i32
  }
  func.func @transform_2(%arg0: i32) -> (i32, i32) {
    %c0_i32 = arith.constant 0 : i32
    %c0_i32_0 = arith.constant 0 : i32
    return %arg0, %c0_i32 : i32, i32
  }
  func.func @transform_3(%arg0: i32) -> (i32, i32) {
    %c0_i32 = arith.constant 0 : i32
    %c0_i32_0 = arith.constant 0 : i32
    return %arg0, %c0_i32 : i32, i32
  }
}

</mosaic_0001>

<sc_bundles>
// kernel: sparse-core-data-format-call.cloned.1.call-start
scs
called_computation_lowered:
.L_overlay_start_0:
0x0: {  	s2 =	sld [smem:$0x3FD9]  }
0x1: {  	s3 =	sld [smem:$0x3FFE];
	_ =	sdelay $0x1  }
0x2: {  	s1 =	srdreg.scid  }
0x3: {  	s0 =	sand.u32 $0x1, s1  }
0x4: {  	s18 =	sshll.u32 s0, $0xA;
	s2 =	sadd.s32 s3, s2  }
0x5: {  	s2 =	sadd.s32 s2, s18  }
0x6: {  	[smem:$0x3FC5] =	sst s2  }
0x7: {  	_ = 	snop  }
0x8: {  	s2 =	sld [smem:$0x3FD0];
	(tm) =	ssettm $0x1  }
0x9: {  	s19 =	sld [smem:$0x3FFB];
	_ =	sdelay $0x3  }
0xa: {  	_ =	strace s19  }
0xb: {  	s3 =	sld [smem:$0x3FFC];
	_ =	sdelay $0x3  }
0xc: {  	_ =	strace s3  }
0xd: {  	s3 =	sld [smem:$0x3FFD];
	_ =	sdelay $0x3  }
0xe: {  	_ =	strace s3  }
0xf: {  	_ =	strace $0x8FFFFFFF  }
0x10: {  	s20 =	sld [smem:$0x3FDB];
	_ =	sdelay $0x1  }
0x11: {  	s4 =	simm.s32 $_scs_section_size  }
0x12: {  	s5 =	simm.s32 $_size__tile_overlayer_lowered;
	s6 =	simm.s32 $_tile_overlayer_lowered  }
0x13: {  	s23 =	simm.s32 $0x1BFF;
	s22 =	sshll.u32 s6, $0x1;
	s3 =	sadd.s32 s4, s20  }
0x14: {  	s7 =	simm.s32 $0x0;
	s21 =	sshll.u32 s5, $0x1;
	s5 =	sadd.s32 s22, s3  }
0x15: {  	[timem:s7], [sflag:s23] =	dma.local [hbm:s5], s21  }
0x16: {  	_ =	swait.ge [sflag:s23], s21  }
0x17: {  	s4 =	ssub.s32 $0x0, s21;
	[sflag:s23] =	ssyncset.done $0x0  }
0x18: {  	[sflag:s23] =	ssyncadd.s32 s4;
	_ =	sdelay $0x1  }
0x19: {  	s24 =	simm.s32 $0x1B8B  }
0x1a: {  	_ =	swait.ge [sflag:s24], $0x1  }
0x1b: {  	[sflag:s24] =	ssyncset.done $0x0  }
0x1c: {  	s26 =	simm.s32 $0x1B8E;
	s25 =	sld [smem:$0x3FFE];
	[sflag:s24] =	ssyncadd.s32 $0xFFFFFFFF  }
0x1d: {  	s27 =	simm.s32 $execute0_lowered;
	[smem:$0x3FD2] =	sst s26  }
0x1e: {  	s5 =	sshll.u32 s27, $0x1;
	_ =	strace $0x80000046;
	[dreg:$0x1] =	wrdreg $0xFFFFFFFF  }
0x1f: {  	s28 =	simm.s32 $_size_execute0_lowered;
	s3 =	sadd.s32 s3, s5;
	[dreg:$0x0] =	wrdreg $0x0  }
0x20: {  	s5 =	sshll.u32 s28, $0x1;
	[dreg:$0x2] =	wrdreg s3  }
0x21: {  	[dreg:$0x3] =	wrdreg s5  }
0x22: {  	[dreg:$0x4] =	wrdreg $0xC0  }
0x23: {  	_ =	task [dreg:s7], $0x5FFFF  }
0x24: {  	[dreg:$0x1] =	wrdreg $0xFFFFFFFF  }
0x25: {  	[dreg:$0x0] =	wrdreg $0x60  }
0x26: {  	[dreg:$0x2] =	wrdreg s25  }
0x27: {  	[dreg:$0x3] =	wrdreg s2  }
0x28: {  	[dreg:$0x4] =	wrdreg $0x9  }
0x29: {  	_ =	task.clear_ibuf [dreg:s7], $0x5FFFF;
	_ =	strace $0x90000046  }
0x2a: {  	s29 =	simm.s32 $0x9;
	_ =	strace $0x80000048  }
0x2b: {  	_ =	swait.ge [sflag:s29], $0x1  }
0x2c: {  	[sflag:s29] =	ssyncadd.s32 $0xFFFFFFFF  }
0x2d: {  	_ =	strace $0x90000048  }
0x2e: {  	_ =	sfence  }
0x2f: {  	s30 =	sld [smem:$0x0];
	_ =	sdelay $0x2  }
0x30: {  	s31 =	sshll.u32 s1, $0xD;
	s1 =	sshrl.u32 s1, $0x2  }
0x31: {  	s3 =	sand.u32 $0x4000, s31;
	s1 =	sadd.s32 s1, s30  }
0x32: {  	s0 =	sor.u32 s3, s0;
	s1 =	sshll.u32 s1, $0x11  }
0x33: {  	s0 =	sor.u32 s1, s0  }
0x34: {  	s0 =	sadd.s32 $0x8F2B, s0  }
0x35: {  	[sflag:s0] =	ssyncadd.remote.s32 $0x1  }
0x36: {  	_ =	sfence.sel $0xFFFF  }
0x37: {  	[dreg:$0x0] =	wrdreg $0xFFFFFFFF;
	(pc) =	sbr.abs _section_cstart, $3  }
0x38: {  	[dreg:$0x1] =	wrdreg $0xFFFFFFFF  }
0x39: {  	_ =	task.clear_ibuf [dreg:s7], $0x2FFFF;
	_ =	strace $0x9FFFFFFF  }
0x3a: {  	(tm) =	ssettm $0x7FFFFFFF  }
0x3b: {  	_ =	shalt  }
tec
execute0_lowered:
.L_overlay_start_1:
0x0: {  	(tag) =	ssettag $0x1  }
0x1: {  	s3 =	rddreg [dreg:$0x0];
	s0 =	srdreg.scid  }
0x2: {  	s1 =	rddreg [dreg:$0x1];
	s4 =	simm.s32 $0x1;
	s7 =	simm.s32 $0x2  }
0x3: {  	s14 =	simm.s32 $0x0;
	p0 =	por $0x0, $0x0;
	s15 =	simm.s32 $0x0  }
0x4: {  	s9 =	simm.s32 $0x0;
	s10 =	simm.s32 $0x0;
	s2 =	sshll.u32 s0, $0x7  }
0x5: {  	s12 =	stileid.u32;
	s13 =	simm.s32 $0x0;
	s2 =	sand.u32 $0x80, s2  }
.Ltmp0:
0x6: {  	s0 =	rddreg [dreg:$0x2];
	s6 =	ssub.s32 $0x2000, s2;
	(pc) =	sbr.rel .LBB1_1-.Ltmp0, $4  }
0x7: {  	_ =	strace $0x80000047;
	s5 =	sadd.s32 $0x600400, s3;
	s31 =	sshrl.u32 s6, $0x7  }
0x8: {  	[sflag:s4] =	ssyncpa.u1 $0x0;
	s6 =	sshrl.u32 s6, $0x8;
	s8 =	sand.u32 $0x1, s31  }
0x9: {  	s3 =	stileid.u32;
	[sflag:s7] =	ssyncpa.u1 $0x0;
	s6 =	sadd.s32 s6, s8  }
0xa: {  	s11 =	smov.u32 s2;
	s8 =	simm.s32 $0x10000;
	s7 =	sadd.s32 $0x1, s6  }
.LBB1_4:
0xb: {  	s20 =	sshra.s32 s20, $0x2;
	s28 =	sshll.u32 s9, $0x3;
	p1 =	sgt.s32 s10, $0xF  }
0xc: {  	s21 =	smov.u32 s10;
	s23 =	sshra.s32 s10, $0x1F;
	s24 =	smov.u32 s9  }
0xd: {  	v5 =	vld [tilespmem:s17+$0xFFFFFFD0];
	[tilespmem:s18+$0x2040 ss:$0x81] =	vst.msk $0xffff, v4;
	s25 =	sshra.s32 s9, $0x1F;
	s26 =	sand.u32 $0x78, s9;
	s19 =	sadd.s32 s20, s19  }
0xe: {  	v58 =	vld [tilespmem:s17+$0xFFFFFFE0];
	[tilespmem:s18+$0x2850 ss:$0x81] =	vst.msk $0xffff, v3;
	s22 =	sshrl.u32 s28, $0xD;
	s21 =	simm.s32 @!p1 $0xF;
	s23 =	sand.u32 s23, s10  }
0xf: {  	v59 =	vld [tilespmem:s17+$0xFFFFFFF0];
	[tilespmem:s18+$0x3060 ss:$0x81] =	vst.msk $0xffff, v2;
	p1 =	sgt.s32 s9, $0x1F80;
	s29 =	sand.u32 s25, s9;
	s20 =	sand.u32 $0x1C00, s28  }
0x10: {  	v60 =	vld [tilespmem:s17+$0x0];
	[tilespmem:s18+$0x0 ss:$0x81] =	vst.msk $0xffff, v0;
	s28 =	smul.u32 $0x14000, s10;
	s21 =	ssub.s32 s21, s23;
	s24 =	simm.s32 @!p1 $0x1F80  }
0x11: {  	v61 =	vld [tilespmem:s17+$0x10];
	s30 =	smulhi.u32 $0x3333334, s22;
	[tilespmem:s19+$0x3870 ss:$0x81] =	vst.msk $0xffff, v1;
	s20 =	sor.u32 s26, s20;
	s31 =	ssub.s32 $0x10, s21  }
0x12: {  	v62 =	vld [tilespmem:s17+$0x20];
	s23 =	ssub.s32 s24, s29;
	s21 =	sadd.s32 $0xFFFFFFF1, s21;
	s25 =	smul.u32 $0x50, s31;
	[tilespmem:s19+$0x810 ss:$0x81] =	vst.msk $0xffff, v5  }
0x13: {  	v63 =	vld [tilespmem:s17+$0xFFFFFFC0];
	s18 =	smul.u32 $0x50, s30;
	p1 =	sgt.s32 s21, $0x0;
	s27 =	sadd.s32 $0xFFFFE080, s23;
	[tilespmem:s19+$0x1020 ss:$0x81] =	vst.msk $0xffff, v58  }
0x14: {  	s17 =	ssub.s32 $0x2000, s23;
	[tilespmem:s19+$0x1830 ss:$0x81] =	vst.msk $0xffff, v59;
	s25 =	simm.s32 @p1 $0x0;
	p1 =	sgt.s32 s27, $0x7F  }
0x15: {  	s29 =	sand.u32 $0x7, s9;
	[tilespmem:s19+$0x2040 ss:$0x81] =	vst.msk $0xffff, v60;
	s18 =	ssub.s32 s22, s18;
	s17 =	simm.s32 @p1 $0x0  }
0x16: {  	s21 =	sadd.s32 s1, s28;
	[tilespmem:s19+$0x2850 ss:$0x81] =	vst.msk $0xffff, v61;
	s18 =	sshll.u32 s18, $0xA;
	s17 =	smul.u32 s17, s25  }
0x17: {  	s20 =	sshrl.u32 s20, $0x3;
	s30 =	sshll.u32 s29, $0x12;
	[tilespmem:s19+$0x3060 ss:$0x81] =	vst.msk $0xffff, v62;
	s18 =	sadd.s32 s18, s21  }
0x18: {  	[tilespmem:s19+$0x0 ss:$0x81] =	vst.msk $0xffff, v63;
	s31 =	sor.u32 $0x400, s30;
	s18 =	sadd.s32 s20, s18;
	s17 =	sand.u32 $0x3FFFFFF0, s17  }
0x19: {  	[hbm4b:s18+s31] =	stream.strided.scatter [tilespmem:s16], [sflag:$0x2], s17, s8, s31, $0x20;
	[tilespmem:$0x10100] =	vst v63  }
.LBB1_5:
0x1a: {  	p1 =	slt.u32 s13, $0x2  }
0x1b: {  	s17 =	smov.u32 s15;
	p2 =	sgt.s32 @!p1 s15, $0xF;
	s16 =	sshra.s32 @!p1 s15, $0x1F  }
0x1c: {  	p3 =	sgt.s32 @!p1 s14, $0x1F80;
	s18 =	sshra.s32 @!p1 s14, $0x1F;
	p2 =	por !p2, p1  }
0x1d: {  	s15 =	sand.u32 @!p1 s16, s15;
	p3 =	por !p3, p1;
	s16 =	smov.u32 s14  }
0x1e: {  	s14 =	sand.u32 @!p1 s18, s14;
	s17 =	simm.s32 @p2 $0xF;
	s16 =	simm.s32 @p3 $0x1F80  }
0x1f: {  	s18 =	smov.u32 s12;
	s15 =	ssub.s32 @!p1 s17, s15;
	s14 =	ssub.s32 @!p1 s16, s14  }
0x20: {  	s16 =	sadd.s32 @!p1 $0xFFFFFFF1, s15;
	s15 =	ssub.s32 @!p1 $0x10, s15;
	s17 =	sadd.s32 @!p1 $0xFFFFE080, s14  }
0x21: {  	p2 =	sgt.s32 @!p1 s16, $0x0;
	s15 =	smul.u32 @!p1 $0x50, s15;
	p3 =	sgt.s32 @!p1 s17, $0x7F  }
0x22: {  	s14 =	ssub.s32 @!p1 $0x2000, s14;
	p2 =	por !p2, p1;
	p3 =	por !p3, p1  }
0x23: {  	s16 =	sadd.s32 $0x100, s11;
	s15 =	simm.s32 @!p2 $0x0;
	s14 =	simm.s32 @!p3 $0x0  }
0x24: {  	p2 =	sgt.s32 s16, $0x1FFF;
	s14 =	smul.u32 @!p1 s14, s15;
	s15 =	sadd.s32 $0x10, s12  }
0x25: {  	s18 =	smov.u32 @p2 s15  }
0x26: {  	s16 =	smov.u32 @p2 s2;
	p2 =	sgt.s32 s18, $0xF  }
0x27: {  	s18 =	smov.u32 @p2 s3;
	p2 =	sne.s32 s13, s7  }
.Ltmp1:
0x28: {  	p0 =	por !p0, !p0;
	s17 =	simm.s32 @!p1 $0x2;
	(pc) =	sbr.rel @!p2 .LBB1_6-.Ltmp1, $4  }
0x29: {  	s15 =	smov.u32 s10;
	s10 =	smov.u32 s12;
	s14 =	sand.u32 @!p1 $0x3FFFFFF0, s14  }
0x2a: {  	_ =	swait.ge @!p1 [sflag:s17], s14;
	s19 =	ssub.s32 @!p1 $0x0, s14;
	s14 =	smov.u32 s9  }
0x2b: {  	s13 =	sadd.s32 $0x1, s13;
	s9 =	smov.u32 s11;
	[sflag:s17] =	ssyncset.done @!p1 $0x0  }
0x2c: {  	s11 =	smov.u32 s16;
	s12 =	smov.u32 s18;
	[sflag:s17] =	ssyncadd.s32 @!p1 s19  }
.LBB1_1:
0x2d: {  	p1 =	sge.u32 s13, s6;
	s31 =	sadd.s32 $0xFFFFFFFF, s13  }
0x2e: {  	s16 =	sxor.u32 @!p1 $0xFFFFFFFF, s13;
	s17 =	sshll.u32 @!p1 s12, $0x11;
	s18 =	sshll.u32 @!p1 s11, $0x4  }
0x2f: {  	s16 =	sshll.u32 @!p1 s16, $0xE;
	s18 =	sand.u32 @!p1 $0x1FFF0, s18;
	s17 =	sadd.s32 @!p1 s5, s17  }
0x30: {  	s16 =	sand.u32 @!p1 $0x4000, s16;
	s17 =	sadd.s32 @!p1 s18, s17;
	s18 =	simm.s32 @!p1 $0x0  }
0x31: {  	[tilespmem:s16], [sflag:$0x1] =	stream.linear.gather @!p1 [hbm4b:s17+s18], $0x4000, $0x38;
	[tilespmem:$0x10100] =	vst v63  }
0x32: {  	p1 =	sge.u32 s31, s6  }
.Ltmp2:
0x33: {  	_ = 	snop;
	(pc) =	sbr.rel @p1 .LBB1_5-.Ltmp2, $1  }
0x34: {  	_ =	sdelay $0x3  }
0x35: {  	s16 =	simm.s32 $0x1  }
0x36: {  	_ =	swait.ge [sflag:s4], $0x4000;
	s16 =	simm.s32 @!p0 $0x0  }
0x37: {  	[sflag:s4] =	ssyncset.done $0x0;
	s17 =	sshll.u32 s16, $0xE  }
0x38: {  	[sflag:s4] =	ssyncadd.s32 $0xFFFFC000;
	s17 =	sor.u32 $0x40, s17  }
0x39: {  	s16 =	smul.u32 $0x10200, s16;
	v0 =	vld [tilespmem:s17+$0x30]  }
0x3a: {  	v1 =	vld [tilespmem:s17+$0xFFFFFFD0]  }
0x3b: {  	s16 =	sshrl.u32 s16, $0x2;
	v5 =	vld [tilespmem:s17+$0xFFFFFFE0]  }
0x3c: {  	v6 =	vld [tilespmem:s17+$0xFFFFFFF0];
	s19 =	sor.u32 $0x8000, s16  }
0x3d: {  	s31 =	sand.u32 $0x1, s13;
	v4 =	vld [tilespmem:s17+$0x0];
	s18 =	sadd.s32 $0x0, s19  }
0x3e: {  	v3 =	vld [tilespmem:s17+$0x10];
	s16 =	smul.u32 $0x10200, s31;
	[tilespmem:s18+$0x3870 ss:$0x81] =	vst.msk $0xffff, v0  }
0x3f: {  	v2 =	vld [tilespmem:s17+$0x20];
	[tilespmem:s18+$0x810 ss:$0x81] =	vst.msk $0xffff, v1  }
0x40: {  	s16 =	sshrl.u32 s16, $0x2;
	v0 =	vld [tilespmem:s17+$0xFFFFFFC0];
	[tilespmem:s18+$0x1020 ss:$0x81] =	vst.msk $0xffff, v5;
	s17 =	sadd.s32 $0x80, s17  }
0x41: {  	s20 =	simm.s32 $0x4;
	s21 =	simm.s32 $0x8;
	s16 =	sor.u32 $0x8000, s16;
	[tilespmem:s18+$0x1830 ss:$0x81] =	vst.msk $0xffff, v6;
	v1 =	vld [tilespmem:s17+$0x30]  }
.LBB1_3:
0x42: {  	p1 =	sne.s32 s21, $0x1FC;
	v5 =	vld [tilespmem:s17+$0xFFFFFFD0];
	[tilespmem:s18+$0x2040 ss:$0x81] =	vst.msk $0xffff, v4  }
0x43: {  	v6 =	vld [tilespmem:s17+$0xFFFFFFE0];
	[tilespmem:s18+$0x2850 ss:$0x81] =	vst.msk $0xffff, v3  }
0x44: {  	s22 =	sshra.s32 s20, $0x2;
	s20 =	smov.u32 s21;
	v7 =	vld [tilespmem:s17+$0xFFFFFFF0];
	[tilespmem:s18+$0x3060 ss:$0x81] =	vst.msk $0xffff, v2  }
.Ltmp3:
0x45: {  	v4 =	vld [tilespmem:s17+$0x0];
	[tilespmem:s18+$0x0 ss:$0x81] =	vst.msk $0xffff, v0;
	s18 =	sadd.s32 s22, s19;
	(pc) =	sbr.rel @p1 .LBB1_3-.Ltmp3, $4  }
0x46: {  	v3 =	vld [tilespmem:s17+$0x10];
	[tilespmem:s18+$0x3870 ss:$0x81] =	vst.msk $0xffff, v1  }
0x47: {  	[tilespmem:s18+$0x810 ss:$0x81] =	vst.msk $0xffff, v5;
	v2 =	vld [tilespmem:s17+$0x20]  }
0x48: {  	v0 =	vld [tilespmem:s17+$0xFFFFFFC0];
	[tilespmem:s18+$0x1020 ss:$0x81] =	vst.msk $0xffff, v6;
	s17 =	sadd.s32 $0x80, s17  }
0x49: {  	s21 =	sadd.s32 $0x4, s21;
	v1 =	vld [tilespmem:s17+$0x30];
	[tilespmem:s18+$0x1830 ss:$0x81] =	vst.msk $0xffff, v7  }
.Ltmp4:
0x4a: {  	_ = 	snop;
	(pc) =	sbr.rel .LBB1_4-.Ltmp4, $1  }
0x4b: {  	_ =	sdelay $0x3  }
.LBB1_6:
0x4c: {  	_ =	sfence.sel $0x180000  }
0x4d: {  	s1 =	simm.s32 $0x1;
	[bflag:$0x0] =	sbarrier.arrive $0xFFFF  }
0x4e: {  	s31 =	simm.s32 $0x2;
	[sflag:s1] =	ssyncpa.u1 $0x1  }
0x4f: {  	[sflag:s31] =	ssyncpa.u1 $0x1  }
0x50: {  	p0 =	sne.s32 s3, $0x0;
	_ =	strace $0x90000047  }
0x51: {  	s0 =	sadd.s32 @!p0 $0x100000, s0;
	[bflag:$0x2] =	sbarrier.arrive $0xFFFF  }
0x52: {  	[sflag:s0] =	ssyncadd.tile.s32 @!p0 $0x1;
	_ =	shalt  }
.Lfunc_end1:
_tile_overlayer_lowered:
.L_overlay_start_2:
0x53: {  	(tag) =	ssettag $0x2  }
0x54: {  	s0 =	rddreg [dreg:$0x0];
	s2 =	stileid.u32  }
0x55: {  	s1 =	rddreg [dreg:$0x1];
	p0 =	sne.s32 s2, $0x0  }
0x56: {  	s3 =	rddreg [dreg:$0x2];
	[bflag:$0x3] =	sbarrier.arrive $0xFFFF;
	s2 =	simm.s32 @!p0 $0x1C01  }
0x57: {  	[timem:s3], [sflag:s2] =	dma.local @!p0 [hbm:s0], s1  }
0x58: {  	s0 =	simm.s32 @!p0 $0x1  }
0x59: {  	_ =	swait.ge @!p0 [sflag:s0], s1  }
0x5a: {  	s1 =	ssub.s32 @!p0 $0x0, s1;
	[sflag:s0] =	ssyncset.done @!p0 $0x0  }
0x5b: {  	[sflag:s0] =	ssyncadd.s32 @!p0 s1  }
0x5c: {  	[bflag:$0x3] =	sbarrier.arrive $0xFFFF  }
0x5d: {  	_ =	shalt  }

</sc_bundles>
